<compile_context>
chip_gen: v7x
topology: tpu7x:2x2x1
jax: 0.10.2.dev20260603
libtpu: 0.0.44.dev20260713+nightly
codegen_flags: <defaults>
</compile_context>

<pallas_src>
import jax
import jax.numpy as jnp
from jax.experimental import pallas as pl
from jax.experimental.pallas import tpu as pltpu

B, C, H, W = 32, 768, 32, 32
NSPLIT = 4
QROWS = C // NSPLIT


def _bias_add_kernel(inA, inB, inC, inD, ht_ref, vt_ref, out_ref, bias_ref):
    @pl.when(pl.program_id(0) == 0)
    def _():
        htT = ht_ref[...].T
        vtT = vt_ref[...].T
        for s in range(8):
            pieces = [htT[:, 4 * s + k:4 * s + k + 1] + vtT for k in range(4)]
            bias_ref[:, s, :] = jnp.concatenate(pieces, axis=1)

    for q, ref in enumerate((inA, inB, inC, inD)):
        lo = q * QROWS
        out_ref[lo:lo + QROWS] = ref[...] + bias_ref[lo:lo + QROWS]


def kernel(x, register_table, vertical_table, horizontal_table):
    Bb, Cc, Hh, Ww = x.shape
    x3 = x.reshape(Bb * Cc, (Hh * Ww) // 128, 128)

    def make_qspec(q):
        return pl.BlockSpec((QROWS, 8, 128), lambda i: (i * NSPLIT + q, 0, 0))

    out3 = pl.pallas_call(
        _bias_add_kernel,
        grid=(Bb,),
        in_specs=[make_qspec(q) for q in range(NSPLIT)] + [
            pl.BlockSpec(horizontal_table.shape, lambda i: (0, 0)),
            pl.BlockSpec(vertical_table.shape, lambda i: (0, 0)),
        ],
        out_specs=pl.BlockSpec((Cc, 8, 128), lambda i: (i, 0, 0)),
        out_shape=jax.ShapeDtypeStruct(x3.shape, x.dtype),
        scratch_shapes=[pltpu.VMEM((Cc, 8, 128), jnp.float32)],
    )(x3, x3, x3, x3, horizontal_table, vertical_table)

    return (out3.reshape(x.shape), register_table)

# --- scband reference (transcript-rebuilt; emitter-appended) ---
"""Pipeline reference for scband-embedding-layer-35639638622333 (READ-ONLY COPY).

The authoritative reference and input builder live on the scoring server;
editing this copy changes nothing except your own understanding.
"""

import jax, jax.numpy as jnp
import numpy as np

B, C, H, W = 32, 768, 32, 32
EMBED_DIM = 768
NUM_REGISTERS = 4
MAX_V, MAX_H = 32, 32


def setup_inputs(seed: int = 0) -> dict:
    key = jax.random.key(seed)
    k1, k2, k3, k4 = jax.random.split(key, 4)
    x = jax.random.normal(k1, (B, C, H, W), dtype=jnp.float32)
    register_table = jax.random.normal(k2, (NUM_REGISTERS, EMBED_DIM), dtype=jnp.float32) * 0.02
    vertical_table = jax.random.normal(k3, (MAX_V, EMBED_DIM), dtype=jnp.float32) * 0.02
    horizontal_table = jax.random.normal(k4, (MAX_H, EMBED_DIM), dtype=jnp.float32) * 0.02
    return {
        "x": x,
        "register_table": register_table,
        "vertical_table": vertical_table,
        "horizontal_table": horizontal_table,
    }


def reference(x, register_table, vertical_table, horizontal_table):
    # x: [B, C, H, W] with C == embedding_dim
    Bb, Cc, Hh, Ww = x.shape
    # register embeddings: lookup all register indices
    reg_idx = jnp.arange(register_table.shape[0])
    register_embeddings = jnp.take(register_table, reg_idx, axis=0)  # [num_registers, D]
    # horizontal embedding uses indices [:H] from table of size max_image_size[1]
    h_idx = jnp.arange(Hh)
    horiz = jnp.take(horizontal_table, h_idx, axis=0)            # [H, D]
    horiz = jnp.swapaxes(horiz, -1, -2)[..., None]               # [D, H, 1]
    # vertical embedding uses indices [:W] from table of size max_image_size[0]
    v_idx = jnp.arange(Ww)
    vert = jnp.take(vertical_table, v_idx, axis=0)               # [W, D]
    vert = jnp.swapaxes(vert, -1, -2)[:, None, :]                # [D, 1, W]
    out = x + horiz + vert                                       # broadcast add, identity activation
    return (out, register_embeddings)

if __name__ == "__main__":
    import jax
    _d = setup_inputs()
    print(jax.jit(kernel)(*tuple(_d.values())))

</pallas_src>

<mosaic_0001>
module attributes {stable_mosaic.version = 14 : i64} {
  func.func @_bias_add_kernel(%arg0: i32, %arg1: memref<192x8x128xf32, #tpu.memory_space<vmem>>, %arg2: memref<192x8x128xf32, #tpu.memory_space<vmem>>, %arg3: memref<192x8x128xf32, #tpu.memory_space<vmem>>, %arg4: memref<192x8x128xf32, #tpu.memory_space<vmem>>, %arg5: memref<32x768xf32, #tpu.memory_space<vmem>>, %arg6: memref<32x768xf32, #tpu.memory_space<vmem>>, %arg7: memref<768x8x128xf32, #tpu.memory_space<vmem>>, %arg8: memref<768x8x128xf32, #tpu.memory_space<vmem>>) attributes {dimension_semantics = [#tpu.dimension_semantics<arbitrary>], iteration_bounds = array<i64: 32>, scalar_prefetch = 0 : i64, scratch_operands = 1 : i64, tpu.core_type = #tpu.core_type<tc>, window_params = [{transform_indices = @transform_0, window_bounds = array<i64: 192, 8, 128>}, {transform_indices = @transform_1, window_bounds = array<i64: 192, 8, 128>}, {transform_indices = @transform_2, window_bounds = array<i64: 192, 8, 128>}, {transform_indices = @transform_3, window_bounds = array<i64: 192, 8, 128>}, {pipeline_mode = #tpu.pipeline_mode<synchronous>, transform_indices = @transform_4, window_bounds = array<i64: 32, 768>}, {pipeline_mode = #tpu.pipeline_mode<synchronous>, transform_indices = @transform_5, window_bounds = array<i64: 32, 768>}, {transform_indices = @transform_6, window_bounds = array<i64: 768, 8, 128>}]} {
    %eq3A = arith.constant 0 : i32
    %eq3A_0 = arith.cmpi eq, %arg0, %eq3A : i32
    %convert_element_type3A = arith.extui %eq3A_0 : i1 to i32
    %cond3A = arith.constant 0 : i32
    %cond3A_1 = arith.cmpi ne, %convert_element_type3A, %cond3A : i32
    scf.if %cond3A_1 {
      %get3A_51 = arith.constant 0 : index
      %get3A_52 = arith.constant 0 : index
      %get3A_53 = vector.load %arg5[%get3A_51, %get3A_52] : memref<32x768xf32, #tpu.memory_space<vmem>>, vector<32x768xf32>
      %transpose3A = tpu.transpose %get3A_53, [1, 0] : vector<32x768xf32> -> vector<768x32xf32>
      %get3A_54 = arith.constant 0 : index
      %get3A_55 = arith.constant 0 : index
      %get3A_56 = vector.load %arg6[%get3A_54, %get3A_55] : memref<32x768xf32, #tpu.memory_space<vmem>>, vector<32x768xf32>
      %transpose3A_57 = tpu.transpose %get3A_56, [1, 0] : vector<32x768xf32> -> vector<768x32xf32>
      %slice3A = vector.extract_strided_slice %transpose3A {offsets = [0, 0], sizes = [768, 1], strides = [1, 1]} : vector<768x32xf32> to vector<768x1xf32>
      %add3A_58 = vector.broadcast %slice3A : vector<768x1xf32> to vector<768x32xf32>
      %add3A_59 = arith.addf %add3A_58, %transpose3A_57 : vector<768x32xf32>
      %slice3A_60 = vector.extract_strided_slice %transpose3A {offsets = [0, 1], sizes = [768, 1], strides = [1, 1]} : vector<768x32xf32> to vector<768x1xf32>
      %add3A_61 = vector.broadcast %slice3A_60 : vector<768x1xf32> to vector<768x32xf32>
      %add3A_62 = arith.addf %add3A_61, %transpose3A_57 : vector<768x32xf32>
      %slice3A_63 = vector.extract_strided_slice %transpose3A {offsets = [0, 2], sizes = [768, 1], strides = [1, 1]} : vector<768x32xf32> to vector<768x1xf32>
      %add3A_64 = vector.broadcast %slice3A_63 : vector<768x1xf32> to vector<768x32xf32>
      %add3A_65 = arith.addf %add3A_64, %transpose3A_57 : vector<768x32xf32>
      %slice3A_66 = vector.extract_strided_slice %transpose3A {offsets = [0, 3], sizes = [768, 1], strides = [1, 1]} : vector<768x32xf32> to vector<768x1xf32>
      %add3A_67 = vector.broadcast %slice3A_66 : vector<768x1xf32> to vector<768x32xf32>
      %add3A_68 = arith.addf %add3A_67, %transpose3A_57 : vector<768x32xf32>
      %concatenate3A = tpu.concatenate %add3A_59, %add3A_62, %add3A_65, %add3A_68 in 1 : vector<768x32xf32>, vector<768x32xf32>, vector<768x32xf32>, vector<768x32xf32> -> vector<768x128xf32>
      %swap3A_69 = arith.constant 0 : index
      %swap3A_70 = arith.constant 0 : index
      %swap3A_71 = arith.constant 0 : index
      %swap3A_72 = vector.load %arg8[%swap3A_69, %swap3A_70, %swap3A_71] : memref<768x8x128xf32, #tpu.memory_space<vmem>>, vector<768x1x128xf32>
      %swap3A_73 = vector.shape_cast %swap3A_72 : vector<768x1x128xf32> to vector<768x128xf32>
      %swap3A_74 = vector.shape_cast %concatenate3A : vector<768x128xf32> to vector<768x1x128xf32>
      tpu.vector_store %arg8[%swap3A_69, %swap3A_70, %swap3A_71], %swap3A_74 {strides = array<i32>} : memref<768x8x128xf32, #tpu.memory_space<vmem>>, vector<768x1x128xf32>,
      %slice3A_75 = vector.extract_strided_slice %transpose3A {offsets = [0, 4], sizes = [768, 1], strides = [1, 1]} : vector<768x32xf32> to vector<768x1xf32>
      %add3A_76 = vector.broadcast %slice3A_75 : vector<768x1xf32> to vector<768x32xf32>
      %add3A_77 = arith.addf %add3A_76, %transpose3A_57 : vector<768x32xf32>
      %slice3A_78 = vector.extract_strided_slice %transpose3A {offsets = [0, 5], sizes = [768, 1], strides = [1, 1]} : vector<768x32xf32> to vector<768x1xf32>
      %add3A_79 = vector.broadcast %slice3A_78 : vector<768x1xf32> to vector<768x32xf32>
      %add3A_80 = arith.addf %add3A_79, %transpose3A_57 : vector<768x32xf32>
      %slice3A_81 = vector.extract_strided_slice %transpose3A {offsets = [0, 6], sizes = [768, 1], strides = [1, 1]} : vector<768x32xf32> to vector<768x1xf32>
      %add3A_82 = vector.broadcast %slice3A_81 : vector<768x1xf32> to vector<768x32xf32>
      %add3A_83 = arith.addf %add3A_82, %transpose3A_57 : vector<768x32xf32>
      %slice3A_84 = vector.extract_strided_slice %transpose3A {offsets = [0, 7], sizes = [768, 1], strides = [1, 1]} : vector<768x32xf32> to vector<768x1xf32>
      %add3A_85 = vector.broadcast %slice3A_84 : vector<768x1xf32> to vector<768x32xf32>
      %add3A_86 = arith.addf %add3A_85, %transpose3A_57 : vector<768x32xf32>
      %concatenate3A_87 = tpu.concatenate %add3A_77, %add3A_80, %add3A_83, %add3A_86 in 1 : vector<768x32xf32>, vector<768x32xf32>, vector<768x32xf32>, vector<768x32xf32> -> vector<768x128xf32>
      %swap3A_88 = arith.constant 0 : index
      %swap3A_89 = arith.constant 1 : index
      %swap3A_90 = arith.constant 0 : index
      %swap3A_91 = vector.load %arg8[%swap3A_88, %swap3A_89, %swap3A_90] : memref<768x8x128xf32, #tpu.memory_space<vmem>>, vector<768x1x128xf32>
      %swap3A_92 = vector.shape_cast %swap3A_91 : vector<768x1x128xf32> to vector<768x128xf32>
      %swap3A_93 = vector.shape_cast %concatenate3A_87 : vector<768x128xf32> to vector<768x1x128xf32>
      tpu.vector_store %arg8[%swap3A_88, %swap3A_89, %swap3A_90], %swap3A_93 {strides = array<i32>} : memref<768x8x128xf32, #tpu.memory_space<vmem>>, vector<768x1x128xf32>,
      %slice3A_94 = vector.extract_strided_slice %transpose3A {offsets = [0, 8], sizes = [768, 1], strides = [1, 1]} : vector<768x32xf32> to vector<768x1xf32>
      %add3A_95 = vector.broadcast %slice3A_94 : vector<768x1xf32> to vector<768x32xf32>
      %add3A_96 = arith.addf %add3A_95, %transpose3A_57 : vector<768x32xf32>
      %slice3A_97 = vector.extract_strided_slice %transpose3A {offsets = [0, 9], sizes = [768, 1], strides = [1, 1]} : vector<768x32xf32> to vector<768x1xf32>
      %add3A_98 = vector.broadcast %slice3A_97 : vector<768x1xf32> to vector<768x32xf32>
      %add3A_99 = arith.addf %add3A_98, %transpose3A_57 : vector<768x32xf32>
      %slice3A_100 = vector.extract_strided_slice %transpose3A {offsets = [0, 10], sizes = [768, 1], strides = [1, 1]} : vector<768x32xf32> to vector<768x1xf32>
      %add3A_101 = vector.broadcast %slice3A_100 : vector<768x1xf32> to vector<768x32xf32>
      %add3A_102 = arith.addf %add3A_101, %transpose3A_57 : vector<768x32xf32>
      %slice3A_103 = vector.extract_strided_slice %transpose3A {offsets = [0, 11], sizes = [768, 1], strides = [1, 1]} : vector<768x32xf32> to vector<768x1xf32>
      %add3A_104 = vector.broadcast %slice3A_103 : vector<768x1xf32> to vector<768x32xf32>
      %add3A_105 = arith.addf %add3A_104, %transpose3A_57 : vector<768x32xf32>
      %concatenate3A_106 = tpu.concatenate %add3A_96, %add3A_99, %add3A_102, %add3A_105 in 1 : vector<768x32xf32>, vector<768x32xf32>, vector<768x32xf32>, vector<768x32xf32> -> vector<768x128xf32>
      %swap3A_107 = arith.constant 0 : index
      %swap3A_108 = arith.constant 2 : index
      %swap3A_109 = arith.constant 0 : index
      %swap3A_110 = vector.load %arg8[%swap3A_107, %swap3A_108, %swap3A_109] : memref<768x8x128xf32, #tpu.memory_space<vmem>>, vector<768x1x128xf32>
      %swap3A_111 = vector.shape_cast %swap3A_110 : vector<768x1x128xf32> to vector<768x128xf32>
      %swap3A_112 = vector.shape_cast %concatenate3A_106 : vector<768x128xf32> to vector<768x1x128xf32>
      tpu.vector_store %arg8[%swap3A_107, %swap3A_108, %swap3A_109], %swap3A_112 {strides = array<i32>} : memref<768x8x128xf32, #tpu.memory_space<vmem>>, vector<768x1x128xf32>,
      %slice3A_113 = vector.extract_strided_slice %transpose3A {offsets = [0, 12], sizes = [768, 1], strides = [1, 1]} : vector<768x32xf32> to vector<768x1xf32>
      %add3A_114 = vector.broadcast %slice3A_113 : vector<768x1xf32> to vector<768x32xf32>
      %add3A_115 = arith.addf %add3A_114, %transpose3A_57 : vector<768x32xf32>
      %slice3A_116 = vector.extract_strided_slice %transpose3A {offsets = [0, 13], sizes = [768, 1], strides = [1, 1]} : vector<768x32xf32> to vector<768x1xf32>
      %add3A_117 = vector.broadcast %slice3A_116 : vector<768x1xf32> to vector<768x32xf32>
      %add3A_118 = arith.addf %add3A_117, %transpose3A_57 : vector<768x32xf32>
      %slice3A_119 = vector.extract_strided_slice %transpose3A {offsets = [0, 14], sizes = [768, 1], strides = [1, 1]} : vector<768x32xf32> to vector<768x1xf32>
      %add3A_120 = vector.broadcast %slice3A_119 : vector<768x1xf32> to vector<768x32xf32>
      %add3A_121 = arith.addf %add3A_120, %transpose3A_57 : vector<768x32xf32>
      %slice3A_122 = vector.extract_strided_slice %transpose3A {offsets = [0, 15], sizes = [768, 1], strides = [1, 1]} : vector<768x32xf32> to vector<768x1xf32>
      %add3A_123 = vector.broadcast %slice3A_122 : vector<768x1xf32> to vector<768x32xf32>
      %add3A_124 = arith.addf %add3A_123, %transpose3A_57 : vector<768x32xf32>
      %concatenate3A_125 = tpu.concatenate %add3A_115, %add3A_118, %add3A_121, %add3A_124 in 1 : vector<768x32xf32>, vector<768x32xf32>, vector<768x32xf32>, vector<768x32xf32> -> vector<768x128xf32>
      %swap3A_126 = arith.constant 0 : index
      %swap3A_127 = arith.constant 3 : index
      %swap3A_128 = arith.constant 0 : index
      %swap3A_129 = vector.load %arg8[%swap3A_126, %swap3A_127, %swap3A_128] : memref<768x8x128xf32, #tpu.memory_space<vmem>>, vector<768x1x128xf32>
      %swap3A_130 = vector.shape_cast %swap3A_129 : vector<768x1x128xf32> to vector<768x128xf32>
      %swap3A_131 = vector.shape_cast %concatenate3A_125 : vector<768x128xf32> to vector<768x1x128xf32>
      tpu.vector_store %arg8[%swap3A_126, %swap3A_127, %swap3A_128], %swap3A_131 {strides = array<i32>} : memref<768x8x128xf32, #tpu.memory_space<vmem>>, vector<768x1x128xf32>,
      %slice3A_132 = vector.extract_strided_slice %transpose3A {offsets = [0, 16], sizes = [768, 1], strides = [1, 1]} : vector<768x32xf32> to vector<768x1xf32>
      %add3A_133 = vector.broadcast %slice3A_132 : vector<768x1xf32> to vector<768x32xf32>
      %add3A_134 = arith.addf %add3A_133, %transpose3A_57 : vector<768x32xf32>
      %slice3A_135 = vector.extract_strided_slice %transpose3A {offsets = [0, 17], sizes = [768, 1], strides = [1, 1]} : vector<768x32xf32> to vector<768x1xf32>
      %add3A_136 = vector.broadcast %slice3A_135 : vector<768x1xf32> to vector<768x32xf32>
      %add3A_137 = arith.addf %add3A_136, %transpose3A_57 : vector<768x32xf32>
      %slice3A_138 = vector.extract_strided_slice %transpose3A {offsets = [0, 18], sizes = [768, 1], strides = [1, 1]} : vector<768x32xf32> to vector<768x1xf32>
      %add3A_139 = vector.broadcast %slice3A_138 : vector<768x1xf32> to vector<768x32xf32>
      %add3A_140 = arith.addf %add3A_139, %transpose3A_57 : vector<768x32xf32>
      %slice3A_141 = vector.extract_strided_slice %transpose3A {offsets = [0, 19], sizes = [768, 1], strides = [1, 1]} : vector<768x32xf32> to vector<768x1xf32>
      %add3A_142 = vector.broadcast %slice3A_141 : vector<768x1xf32> to vector<768x32xf32>
      %add3A_143 = arith.addf %add3A_142, %transpose3A_57 : vector<768x32xf32>
      %concatenate3A_144 = tpu.concatenate %add3A_134, %add3A_137, %add3A_140, %add3A_143 in 1 : vector<768x32xf32>, vector<768x32xf32>, vector<768x32xf32>, vector<768x32xf32> -> vector<768x128xf32>
      %swap3A_145 = arith.constant 0 : index
      %swap3A_146 = arith.constant 4 : index
      %swap3A_147 = arith.constant 0 : index
      %swap3A_148 = vector.load %arg8[%swap3A_145, %swap3A_146, %swap3A_147] : memref<768x8x128xf32, #tpu.memory_space<vmem>>, vector<768x1x128xf32>
      %swap3A_149 = vector.shape_cast %swap3A_148 : vector<768x1x128xf32> to vector<768x128xf32>
      %swap3A_150 = vector.shape_cast %concatenate3A_144 : vector<768x128xf32> to vector<768x1x128xf32>
      tpu.vector_store %arg8[%swap3A_145, %swap3A_146, %swap3A_147], %swap3A_150 {strides = array<i32>} : memref<768x8x128xf32, #tpu.memory_space<vmem>>, vector<768x1x128xf32>,
      %slice3A_151 = vector.extract_strided_slice %transpose3A {offsets = [0, 20], sizes = [768, 1], strides = [1, 1]} : vector<768x32xf32> to vector<768x1xf32>
      %add3A_152 = vector.broadcast %slice3A_151 : vector<768x1xf32> to vector<768x32xf32>
      %add3A_153 = arith.addf %add3A_152, %transpose3A_57 : vector<768x32xf32>
      %slice3A_154 = vector.extract_strided_slice %transpose3A {offsets = [0, 21], sizes = [768, 1], strides = [1, 1]} : vector<768x32xf32> to vector<768x1xf32>
      %add3A_155 = vector.broadcast %slice3A_154 : vector<768x1xf32> to vector<768x32xf32>
      %add3A_156 = arith.addf %add3A_155, %transpose3A_57 : vector<768x32xf32>
      %slice3A_157 = vector.extract_strided_slice %transpose3A {offsets = [0, 22], sizes = [768, 1], strides = [1, 1]} : vector<768x32xf32> to vector<768x1xf32>
      %add3A_158 = vector.broadcast %slice3A_157 : vector<768x1xf32> to vector<768x32xf32>
      %add3A_159 = arith.addf %add3A_158, %transpose3A_57 : vector<768x32xf32>
      %slice3A_160 = vector.extract_strided_slice %transpose3A {offsets = [0, 23], sizes = [768, 1], strides = [1, 1]} : vector<768x32xf32> to vector<768x1xf32>
      %add3A_161 = vector.broadcast %slice3A_160 : vector<768x1xf32> to vector<768x32xf32>
      %add3A_162 = arith.addf %add3A_161, %transpose3A_57 : vector<768x32xf32>
      %concatenate3A_163 = tpu.concatenate %add3A_153, %add3A_156, %add3A_159, %add3A_162 in 1 : vector<768x32xf32>, vector<768x32xf32>, vector<768x32xf32>, vector<768x32xf32> -> vector<768x128xf32>
      %swap3A_164 = arith.constant 0 : index
      %swap3A_165 = arith.constant 5 : index
      %swap3A_166 = arith.constant 0 : index
      %swap3A_167 = vector.load %arg8[%swap3A_164, %swap3A_165, %swap3A_166] : memref<768x8x128xf32, #tpu.memory_space<vmem>>, vector<768x1x128xf32>
      %swap3A_168 = vector.shape_cast %swap3A_167 : vector<768x1x128xf32> to vector<768x128xf32>
      %swap3A_169 = vector.shape_cast %concatenate3A_163 : vector<768x128xf32> to vector<768x1x128xf32>
      tpu.vector_store %arg8[%swap3A_164, %swap3A_165, %swap3A_166], %swap3A_169 {strides = array<i32>} : memref<768x8x128xf32, #tpu.memory_space<vmem>>, vector<768x1x128xf32>,
      %slice3A_170 = vector.extract_strided_slice %transpose3A {offsets = [0, 24], sizes = [768, 1], strides = [1, 1]} : vector<768x32xf32> to vector<768x1xf32>
      %add3A_171 = vector.broadcast %slice3A_170 : vector<768x1xf32> to vector<768x32xf32>
      %add3A_172 = arith.addf %add3A_171, %transpose3A_57 : vector<768x32xf32>
      %slice3A_173 = vector.extract_strided_slice %transpose3A {offsets = [0, 25], sizes = [768, 1], strides = [1, 1]} : vector<768x32xf32> to vector<768x1xf32>
      %add3A_174 = vector.broadcast %slice3A_173 : vector<768x1xf32> to vector<768x32xf32>
      %add3A_175 = arith.addf %add3A_174, %transpose3A_57 : vector<768x32xf32>
      %slice3A_176 = vector.extract_strided_slice %transpose3A {offsets = [0, 26], sizes = [768, 1], strides = [1, 1]} : vector<768x32xf32> to vector<768x1xf32>
      %add3A_177 = vector.broadcast %slice3A_176 : vector<768x1xf32> to vector<768x32xf32>
      %add3A_178 = arith.addf %add3A_177, %transpose3A_57 : vector<768x32xf32>
      %slice3A_179 = vector.extract_strided_slice %transpose3A {offsets = [0, 27], sizes = [768, 1], strides = [1, 1]} : vector<768x32xf32> to vector<768x1xf32>
      %add3A_180 = vector.broadcast %slice3A_179 : vector<768x1xf32> to vector<768x32xf32>
      %add3A_181 = arith.addf %add3A_180, %transpose3A_57 : vector<768x32xf32>
      %concatenate3A_182 = tpu.concatenate %add3A_172, %add3A_175, %add3A_178, %add3A_181 in 1 : vector<768x32xf32>, vector<768x32xf32>, vector<768x32xf32>, vector<768x32xf32> -> vector<768x128xf32>
      %swap3A_183 = arith.constant 0 : index
      %swap3A_184 = arith.constant 6 : index
      %swap3A_185 = arith.constant 0 : index
      %swap3A_186 = vector.load %arg8[%swap3A_183, %swap3A_184, %swap3A_185] : memref<768x8x128xf32, #tpu.memory_space<vmem>>, vector<768x1x128xf32>
      %swap3A_187 = vector.shape_cast %swap3A_186 : vector<768x1x128xf32> to vector<768x128xf32>
      %swap3A_188 = vector.shape_cast %concatenate3A_182 : vector<768x128xf32> to vector<768x1x128xf32>
      tpu.vector_store %arg8[%swap3A_183, %swap3A_184, %swap3A_185], %swap3A_188 {strides = array<i32>} : memref<768x8x128xf32, #tpu.memory_space<vmem>>, vector<768x1x128xf32>,
      %slice3A_189 = vector.extract_strided_slice %transpose3A {offsets = [0, 28], sizes = [768, 1], strides = [1, 1]} : vector<768x32xf32> to vector<768x1xf32>
      %add3A_190 = vector.broadcast %slice3A_189 : vector<768x1xf32> to vector<768x32xf32>
      %add3A_191 = arith.addf %add3A_190, %transpose3A_57 : vector<768x32xf32>
      %slice3A_192 = vector.extract_strided_slice %transpose3A {offsets = [0, 29], sizes = [768, 1], strides = [1, 1]} : vector<768x32xf32> to vector<768x1xf32>
      %add3A_193 = vector.broadcast %slice3A_192 : vector<768x1xf32> to vector<768x32xf32>
      %add3A_194 = arith.addf %add3A_193, %transpose3A_57 : vector<768x32xf32>
      %slice3A_195 = vector.extract_strided_slice %transpose3A {offsets = [0, 30], sizes = [768, 1], strides = [1, 1]} : vector<768x32xf32> to vector<768x1xf32>
      %add3A_196 = vector.broadcast %slice3A_195 : vector<768x1xf32> to vector<768x32xf32>
      %add3A_197 = arith.addf %add3A_196, %transpose3A_57 : vector<768x32xf32>
      %slice3A_198 = vector.extract_strided_slice %transpose3A {offsets = [0, 31], sizes = [768, 1], strides = [1, 1]} : vector<768x32xf32> to vector<768x1xf32>
      %add3A_199 = vector.broadcast %slice3A_198 : vector<768x1xf32> to vector<768x32xf32>
      %add3A_200 = arith.addf %add3A_199, %transpose3A_57 : vector<768x32xf32>
      %concatenate3A_201 = tpu.concatenate %add3A_191, %add3A_194, %add3A_197, %add3A_200 in 1 : vector<768x32xf32>, vector<768x32xf32>, vector<768x32xf32>, vector<768x32xf32> -> vector<768x128xf32>
      %swap3A_202 = arith.constant 0 : index
      %swap3A_203 = arith.constant 7 : index
      %swap3A_204 = arith.constant 0 : index
      %swap3A_205 = vector.load %arg8[%swap3A_202, %swap3A_203, %swap3A_204] : memref<768x8x128xf32, #tpu.memory_space<vmem>>, vector<768x1x128xf32>
      %swap3A_206 = vector.shape_cast %swap3A_205 : vector<768x1x128xf32> to vector<768x128xf32>
      %swap3A_207 = vector.shape_cast %concatenate3A_201 : vector<768x128xf32> to vector<768x1x128xf32>
      tpu.vector_store %arg8[%swap3A_202, %swap3A_203, %swap3A_204], %swap3A_207 {strides = array<i32>} : memref<768x8x128xf32, #tpu.memory_space<vmem>>, vector<768x1x128xf32>,
    } else {
    }
    %get3A = arith.constant 0 : index
    %get3A_2 = arith.constant 0 : index
    %get3A_3 = arith.constant 0 : index
    %get3A_4 = vector.load %arg1[%get3A, %get3A_2, %get3A_3] : memref<192x8x128xf32, #tpu.memory_space<vmem>>, vector<192x8x128xf32>
    %get3A_5 = arith.constant 0 : index
    %get3A_6 = arith.constant 0 : index
    %get3A_7 = arith.constant 0 : index
    %get3A_8 = vector.load %arg8[%get3A_5, %get3A_6, %get3A_7] : memref<768x8x128xf32, #tpu.memory_space<vmem>>, vector<192x8x128xf32>
    %add3A = arith.addf %get3A_4, %get3A_8 : vector<192x8x128xf32>
    %swap3A = arith.constant 0 : index
    %swap3A_9 = arith.constant 0 : index
    %swap3A_10 = arith.constant 0 : index
    %swap3A_11 = vector.load %arg7[%swap3A, %swap3A_9, %swap3A_10] : memref<768x8x128xf32, #tpu.memory_space<vmem>>, vector<192x8x128xf32>
    tpu.vector_store %arg7[%swap3A, %swap3A_9, %swap3A_10], %add3A {strides = array<i32>} : memref<768x8x128xf32, #tpu.memory_space<vmem>>, vector<192x8x128xf32>,
    %get3A_12 = arith.constant 0 : index
    %get3A_13 = arith.constant 0 : index
    %get3A_14 = arith.constant 0 : index
    %get3A_15 = vector.load %arg2[%get3A_12, %get3A_13, %get3A_14] : memref<192x8x128xf32, #tpu.memory_space<vmem>>, vector<192x8x128xf32>
    %get3A_16 = arith.constant 192 : index
    %get3A_17 = arith.constant 0 : index
    %get3A_18 = arith.constant 0 : index
    %get3A_19 = vector.load %arg8[%get3A_16, %get3A_17, %get3A_18] : memref<768x8x128xf32, #tpu.memory_space<vmem>>, vector<192x8x128xf32>
    %add3A_20 = arith.addf %get3A_15, %get3A_19 : vector<192x8x128xf32>
    %swap3A_21 = arith.constant 192 : index
    %swap3A_22 = arith.constant 0 : index
    %swap3A_23 = arith.constant 0 : index
    %swap3A_24 = vector.load %arg7[%swap3A_21, %swap3A_22, %swap3A_23] : memref<768x8x128xf32, #tpu.memory_space<vmem>>, vector<192x8x128xf32>
    tpu.vector_store %arg7[%swap3A_21, %swap3A_22, %swap3A_23], %add3A_20 {strides = array<i32>} : memref<768x8x128xf32, #tpu.memory_space<vmem>>, vector<192x8x128xf32>,
    %get3A_25 = arith.constant 0 : index
    %get3A_26 = arith.constant 0 : index
    %get3A_27 = arith.constant 0 : index
    %get3A_28 = vector.load %arg3[%get3A_25, %get3A_26, %get3A_27] : memref<192x8x128xf32, #tpu.memory_space<vmem>>, vector<192x8x128xf32>
    %get3A_29 = arith.constant 384 : index
    %get3A_30 = arith.constant 0 : index
    %get3A_31 = arith.constant 0 : index
    %get3A_32 = vector.load %arg8[%get3A_29, %get3A_30, %get3A_31] : memref<768x8x128xf32, #tpu.memory_space<vmem>>, vector<192x8x128xf32>
    %add3A_33 = arith.addf %get3A_28, %get3A_32 : vector<192x8x128xf32>
    %swap3A_34 = arith.constant 384 : index
    %swap3A_35 = arith.constant 0 : index
    %swap3A_36 = arith.constant 0 : index
    %swap3A_37 = vector.load %arg7[%swap3A_34, %swap3A_35, %swap3A_36] : memref<768x8x128xf32, #tpu.memory_space<vmem>>, vector<192x8x128xf32>
    tpu.vector_store %arg7[%swap3A_34, %swap3A_35, %swap3A_36], %add3A_33 {strides = array<i32>} : memref<768x8x128xf32, #tpu.memory_space<vmem>>, vector<192x8x128xf32>,
    %get3A_38 = arith.constant 0 : index
    %get3A_39 = arith.constant 0 : index
    %get3A_40 = arith.constant 0 : index
    %get3A_41 = vector.load %arg4[%get3A_38, %get3A_39, %get3A_40] : memref<192x8x128xf32, #tpu.memory_space<vmem>>, vector<192x8x128xf32>
    %get3A_42 = arith.constant 576 : index
    %get3A_43 = arith.constant 0 : index
    %get3A_44 = arith.constant 0 : index
    %get3A_45 = vector.load %arg8[%get3A_42, %get3A_43, %get3A_44] : memref<768x8x128xf32, #tpu.memory_space<vmem>>, vector<192x8x128xf32>
    %add3A_46 = arith.addf %get3A_41, %get3A_45 : vector<192x8x128xf32>
    %swap3A_47 = arith.constant 576 : index
    %swap3A_48 = arith.constant 0 : index
    %swap3A_49 = arith.constant 0 : index
    %swap3A_50 = vector.load %arg7[%swap3A_47, %swap3A_48, %swap3A_49] : memref<768x8x128xf32, #tpu.memory_space<vmem>>, vector<192x8x128xf32>
    tpu.vector_store %arg7[%swap3A_47, %swap3A_48, %swap3A_49], %add3A_46 {strides = array<i32>} : memref<768x8x128xf32, #tpu.memory_space<vmem>>, vector<192x8x128xf32>,
    return
  }
  func.func @transform_0(%arg0: i32) -> (i32, i32, i32) {
    %mul3A = arith.constant 4 : i32
    %mul3A_0 = arith.muli %arg0, %mul3A : i32
    %add3A = arith.constant 0 : i32
    %add3A_1 = arith.addi %mul3A_0, %add3A : i32
    %c0_i32 = arith.constant 0 : i32
    %c0_i32_2 = arith.constant 0 : i32
    %c0_i32_3 = arith.constant 0 : i32
    return %add3A_1, %c0_i32, %c0_i32_2 : i32, i32, i32
  }
  func.func @transform_1(%arg0: i32) -> (i32, i32, i32) {
    %mul3A = arith.constant 4 : i32
    %mul3A_0 = arith.muli %arg0, %mul3A : i32
    %add3A = arith.constant 1 : i32
    %add3A_1 = arith.addi %mul3A_0, %add3A : i32
    %c0_i32 = arith.constant 0 : i32
    %c0_i32_2 = arith.constant 0 : i32
    %c0_i32_3 = arith.constant 0 : i32
    return %add3A_1, %c0_i32, %c0_i32_2 : i32, i32, i32
  }
  func.func @transform_2(%arg0: i32) -> (i32, i32, i32) {
    %mul3A = arith.constant 4 : i32
    %mul3A_0 = arith.muli %arg0, %mul3A : i32
    %add3A = arith.constant 2 : i32
    %add3A_1 = arith.addi %mul3A_0, %add3A : i32
    %c0_i32 = arith.constant 0 : i32
    %c0_i32_2 = arith.constant 0 : i32
    %c0_i32_3 = arith.constant 0 : i32
    return %add3A_1, %c0_i32, %c0_i32_2 : i32, i32, i32
  }
  func.func @transform_3(%arg0: i32) -> (i32, i32, i32) {
    %mul3A = arith.constant 4 : i32
    %mul3A_0 = arith.muli %arg0, %mul3A : i32
    %add3A = arith.constant 3 : i32
    %add3A_1 = arith.addi %mul3A_0, %add3A : i32
    %c0_i32 = arith.constant 0 : i32
    %c0_i32_2 = arith.constant 0 : i32
    %c0_i32_3 = arith.constant 0 : i32
    return %add3A_1, %c0_i32, %c0_i32_2 : i32, i32, i32
  }
  func.func @transform_4(%arg0: i32) -> (i32, i32) {
    %c0_i32 = arith.constant 0 : i32
    %c0_i32_0 = arith.constant 0 : i32
    %c0_i32_1 = arith.constant 0 : i32
    return %c0_i32, %c0_i32_0 : i32, i32
  }
  func.func @transform_5(%arg0: i32) -> (i32, i32) {
    %c0_i32 = arith.constant 0 : i32
    %c0_i32_0 = arith.constant 0 : i32
    %c0_i32_1 = arith.constant 0 : i32
    return %c0_i32, %c0_i32_0 : i32, i32
  }
  func.func @transform_6(%arg0: i32) -> (i32, i32, i32) {
    %c0_i32 = arith.constant 0 : i32
    %c0_i32_0 = arith.constant 0 : i32
    %c0_i32_1 = arith.constant 0 : i32
    return %arg0, %c0_i32, %c0_i32_0 : i32, i32, i32
  }
}

</mosaic_0001>

<sc_bundles>
// kernel: sparse-core-data-format-call.1.cloned.1.call-start
scs
called_computation.1_lowered:
.L_overlay_start_0:
0x0: {  	s2 =	sld [smem:$0x3FD9]  }
0x1: {  	s3 =	sld [smem:$0x3FFE];
	_ =	sdelay $0x1  }
0x2: {  	s1 =	srdreg.scid  }
0x3: {  	s0 =	sand.u32 $0x1, s1  }
0x4: {  	s15 =	sshll.u32 s0, $0xA;
	s2 =	sadd.s32 s3, s2  }
0x5: {  	s2 =	sadd.s32 s2, s15  }
0x6: {  	[smem:$0x3FC4] =	sst s2  }
0x7: {  	_ = 	snop  }
0x8: {  	s2 =	sld [smem:$0x3FD0];
	_ =	sdelay $0x2  }
0x9: {  	s16 =	simm.s32 $0xA;
	s4 =	simm.s32 $0x10  }
0xa: {  	[smem:s4], [sflag:s16] =	dma.local [hbm:s2], $0x1  }
0xb: {  	_ =	swait.eq [sflag:s16], $0x1  }
0xc: {  	[sflag:s16] =	ssyncset.done $0x0  }
0xd: {  	[sflag:s16] =	ssyncadd.s32 $0xFFFFFFFF  }
0xe: {  	s17 =	sld [smem:$0x10];
	(tm) =	ssettm $0x1  }
0xf: {  	s18 =	sld [smem:$0x3FFB];
	_ =	sdelay $0x3  }
0x10: {  	_ =	strace s18  }
0x11: {  	s3 =	sld [smem:$0x3FFC];
	_ =	sdelay $0x3  }
0x12: {  	_ =	strace s3  }
0x13: {  	s3 =	sld [smem:$0x3FFD];
	_ =	sdelay $0x3  }
0x14: {  	_ =	strace s3  }
0x15: {  	_ =	strace $0x8FFFFFFF  }
0x16: {  	s19 =	sld [smem:$0x3FDB];
	_ =	sdelay $0x1  }
0x17: {  	s20 =	simm.s32 $_scs_section_size  }
0x18: {  	s5 =	simm.s32 $_size__tile_overlayer_lowered;
	s6 =	simm.s32 $_tile_overlayer_lowered  }
0x19: {  	s23 =	simm.s32 $0x1BFF;
	s22 =	sshll.u32 s6, $0x1;
	s3 =	sadd.s32 s20, s19  }
0x1a: {  	s7 =	simm.s32 $0x0;
	s21 =	sshll.u32 s5, $0x1;
	s5 =	sadd.s32 s22, s3  }
0x1b: {  	[timem:s7], [sflag:s23] =	dma.local [hbm:s5], s21  }
0x1c: {  	_ =	swait.ge [sflag:s23], s21  }
0x1d: {  	s4 =	ssub.s32 $0x0, s21;
	[sflag:s23] =	ssyncset.done $0x0  }
0x1e: {  	[sflag:s23] =	ssyncadd.s32 s4;
	_ =	sdelay $0x1  }
0x1f: {  	s24 =	simm.s32 $0x1B8B  }
0x20: {  	_ =	swait.ge [sflag:s24], $0x1  }
0x21: {  	[sflag:s24] =	ssyncset.done $0x0  }
0x22: {  	s26 =	simm.s32 $0x1B8E;
	s25 =	sld [smem:$0x3FFE];
	[sflag:s24] =	ssyncadd.s32 $0xFFFFFFFF  }
0x23: {  	s27 =	simm.s32 $execute0_lowered;
	[smem:$0x3FD2] =	sst s26  }
0x24: {  	s5 =	sshll.u32 s27, $0x1;
	_ =	strace $0x80000046;
	[dreg:$0x1] =	wrdreg $0xFFFFFFFF  }
0x25: {  	s28 =	simm.s32 $_size_execute0_lowered;
	s3 =	sadd.s32 s3, s5;
	[dreg:$0x0] =	wrdreg $0x0  }
0x26: {  	s5 =	sshll.u32 s28, $0x1;
	[dreg:$0x2] =	wrdreg s3  }
0x27: {  	[dreg:$0x3] =	wrdreg s5  }
0x28: {  	[dreg:$0x4] =	wrdreg $0xC0  }
0x29: {  	_ =	task [dreg:s7], $0x5FFFF  }
0x2a: {  	[dreg:$0x1] =	wrdreg $0xFFFFFFFF  }
0x2b: {  	[dreg:$0x0] =	wrdreg $0x60  }
0x2c: {  	[dreg:$0x2] =	wrdreg s17  }
0x2d: {  	[dreg:$0x3] =	wrdreg s25  }
0x2e: {  	[dreg:$0x4] =	wrdreg $0x9  }
0x2f: {  	_ =	task.clear_ibuf [dreg:s7], $0x5FFFF;
	_ =	strace $0x90000046  }
0x30: {  	s29 =	simm.s32 $0x9;
	_ =	strace $0x80000048  }
0x31: {  	_ =	swait.ge [sflag:s29], $0x1  }
0x32: {  	[sflag:s29] =	ssyncadd.s32 $0xFFFFFFFF  }
0x33: {  	_ =	strace $0x90000048  }
0x34: {  	_ =	sfence  }
0x35: {  	s30 =	sld [smem:$0x0];
	_ =	sdelay $0x2  }
0x36: {  	s31 =	sshll.u32 s1, $0xD;
	s1 =	sshrl.u32 s1, $0x2  }
0x37: {  	s3 =	sand.u32 $0x4000, s31;
	s1 =	sadd.s32 s1, s30  }
0x38: {  	s0 =	sor.u32 s3, s0;
	s1 =	sshll.u32 s1, $0x11  }
0x39: {  	s0 =	sor.u32 s1, s0  }
0x3a: {  	s0 =	sadd.s32 $0x8F2B, s0  }
0x3b: {  	[sflag:s0] =	ssyncadd.remote.s32 $0x1  }
0x3c: {  	_ =	sfence.sel $0xFFFF  }
0x3d: {  	[dreg:$0x0] =	wrdreg $0xFFFFFFFF;
	(pc) =	sbr.abs _section_cstart, $3  }
0x3e: {  	[dreg:$0x1] =	wrdreg $0xFFFFFFFF  }
0x3f: {  	_ =	task.clear_ibuf [dreg:s7], $0x2FFFF;
	_ =	strace $0x9FFFFFFF  }
0x40: {  	(tm) =	ssettm $0x7FFFFFFF  }
0x41: {  	_ =	shalt  }
tec
execute0_lowered:
.L_overlay_start_1:
0x0: {  	(tag) =	ssettag $0x1  }
0x1: {  	s2 =	rddreg [dreg:$0x0]  }
0x2: {  	s1 =	rddreg [dreg:$0x1]  }
0x3: {  	s0 =	rddreg [dreg:$0x2];
	_ =	strace $0x80000047;
	s4 =	srdreg.scid  }
0x4: {  	s6 =	simm.s32 $0x2;
	s13 =	simm.s32 $0x0;
	p0 =	por $0x0, $0x0  }
0x5: {  	s12 =	simm.s32 $0x0;
	s15 =	simm.s32 $0x0;
	s14 =	simm.s32 $0x0  }
.Ltmp0:
0x6: {  	s8 =	simm.s32 $0x0;
	s9 =	simm.s32 $0x0;
	(pc) =	sbr.rel .LBB1_1-.Ltmp0, $4  }
0x7: {  	s10 =	simm.s32 $0x0;
	s3 =	sadd.s32 $0xE00, s1;
	s5 =	sshll.u32 s4, $0x4  }
0x8: {  	s1 =	stileid.u32;
	s4 =	simm.s32 $0x1;
	s5 =	sand.u32 $0x10, s5  }
0x9: {  	s7 =	simm.s32 $0x0;
	[sflag:s4] =	ssyncpa.u1 $0x0;
	s5 =	sor.u32 s1, s5  }
0xa: {  	[sflag:s6] =	ssyncpa.u1 $0x0;
	s6 =	simm.s32 $0x6000;
	s11 =	smov.u32 s5  }
.LBB1_7:
0xb: {  	s16 =	sadd.s32 $0x100, s8  }
0xc: {  	s12 =	sadd.s32 $0x8, s9;
	s17 =	smov.u32 s9;
	p2 =	sgt.s32 s16, $0x2FF  }
0xd: {  	s17 =	smov.u32 @p2 s12  }
0xe: {  	s18 =	smov.u32 s10;
	s12 =	sadd.s32 $0x8, s10;
	p3 =	sgt.s32 s17, $0x7  }
0xf: {  	s18 =	smov.u32 @p3 s12  }
0x10: {  	s19 =	smov.u32 s11;
	s12 =	sadd.s32 $0x20, s11;
	p4 =	sgt.s32 s18, $0x1F  }
0x11: {  	p1 =	slt.u32 s7, $0x2;
	s19 =	smov.u32 @p4 s12  }
0x12: {  	s7 =	sadd.s32 $0x1, s7;
	s16 =	simm.s32 @p2 $0x0;
	p2 =	sgt.s32 s19, $0x7F  }
0x13: {  	s13 =	smov.u32 s8;
	s19 =	smov.u32 @p2 s5;
	p2 =	sne.s32 s7, $0x32  }
.Ltmp1:
0x14: {  	s15 =	smov.u32 s10;
	s20 =	simm.s32 @!p1 $0x2;
	(pc) =	sbr.rel @!p2 .LBB1_8-.Ltmp1, $4  }
0x15: {  	s14 =	smov.u32 s11;
	p0 =	por !p0, !p0;
	_ =	swait.ge @!p1 [sflag:s20], $0x4000  }
0x16: {  	[sflag:s20] =	ssyncset.done @!p1 $0x0;
	s8 =	smov.u32 s16;
	s17 =	simm.s32 @p3 $0x0  }
0x17: {  	[sflag:s20] =	ssyncadd.s32 @!p1 $0xFFFFC000;
	s18 =	simm.s32 @p4 $0x0;
	s12 =	smov.u32 s9  }
0x18: {  	s9 =	smov.u32 s17;
	s10 =	smov.u32 s18;
	s11 =	smov.u32 s19  }
.LBB1_1:
0x19: {  	p1 =	sgt.u32 s7, $0x2F  }
0x1a: {  	s16 =	sshrl.u32 @!p1 s9, $0x3  }
0x1b: {  	s17 =	sshll.u32 @!p1 s8, $0x3;
	s16 =	smul.u32 @!p1 $0x1800, s16  }
0x1c: {  	s18 =	sshll.u32 @!p1 s9, $0x7;
	s17 =	sand.u32 @!p1 $0xFFFFFC00, s17  }
0x1d: {  	s16 =	sadd.s32 @!p1 s16, s17;
	s17 =	sand.u32 @!p1 $0x380, s18  }
0x1e: {  	s18 =	sand.u32 @!p1 $0x7F, s8;
	s16 =	sor.u32 @!p1 s17, s16  }
0x1f: {  	s17 =	sor.u32 @!p1 s18, s16  }
0x20: {  	s18 =	smulhi.u32 @!p1 $0xAAAAAAAB, s17  }
0x21: {  	s16 =	smulhi.u32 @!p1 $0xAAAAAAAB, s16  }
0x22: {  	s20 =	smul.u32 @!p1 $0x6000, s11;
	s18 =	sshrl.u32 @!p1 s18, $0x9  }
0x23: {  	s19 =	sxor.u32 @!p1 $0xFFFFFFFF, s7;
	s16 =	sshrl.u32 @!p1 s16, $0x9;
	s18 =	smul.u32 @!p1 $0x300, s18  }
0x24: {  	s21 =	smul.u32 @!p1 $0x300, s10;
	s19 =	sshll.u32 @!p1 s19, $0xE;
	s16 =	sand.u32 @!p1 $0x7, s16  }
0x25: {  	s16 =	smul.u32 @!p1 $0x60, s16;
	s17 =	ssub.s32 @!p1 s17, s18;
	s18 =	sadd.s32 @!p1 s2, s20  }
0x26: {  	s19 =	sand.u32 @!p1 $0x4000, s19;
	s18 =	sadd.s32 @!p1 s21, s18;
	s20 =	sand.u32 @!p1 $0x7, s17  }
0x27: {  	s17 =	sshrl.u32 @!p1 s17, $0x3;
	s16 =	sadd.s32 @!p1 s16, s18;
	s18 =	sshll.u32 @!p1 s20, $0x12  }
0x28: {  	s16 =	sadd.s32 @!p1 s17, s16;
	s17 =	sor.u32 @!p1 $0x800, s18;
	s18 =	simm.s32 @!p1 $0x1800  }
0x29: {  	[tilespmem:s19], [sflag:$0x1] =	stream.strided.gather @!p1 [hbm4b:s16+s17], $0x4000, s18, s17, $0x38;
	[tilespmem:$0x10000] =	vst v63  }
0x2a: {  	p1 =	seq.s32 s7, $0x0  }
0x2b: {  	p2 =	seq.s32 @!p1 s7, $0x31  }
0x2c: {  	p1 =	por p1, p2  }
.Ltmp2:
0x2d: {  	_ = 	snop;
	(pc) =	sbr.rel @p1 .LBB1_7-.Ltmp2, $1  }
0x2e: {  	_ =	sdelay $0x3  }
0x2f: {  	s16 =	simm.s32 $0x1;
	_ =	swait.ge [sflag:s4], $0x4000  }
0x30: {  	s31 =	sshll.u32 s7, $0xE;
	s21 =	simm.s32 $0x0;
	p1 =	por $0x0, $0x0  }
0x31: {  	s22 =	simm.s32 $0x0;
	s23 =	simm.s32 $0x0;
	s16 =	simm.s32 @!p0 $0x0  }
0x32: {  	[sflag:s4] =	ssyncset.done $0x0;
	s19 =	sand.u32 $0x4000, s31;
	s16 =	sshll.u32 s16, $0x10  }
0x33: {  	[sflag:s4] =	ssyncadd.s32 $0xFFFFC000;
	s20 =	sshrl.u32 s16, $0x2;
	s16 =	sor.u32 $0x8000, s19  }
0x34: {  	s17 =	sor.u32 $0x40, s20;
	s18 =	sor.u32 $0x8410, s20;
	s20 =	sadd.s32 $0x8400, s20  }
.LBB1_3:
0x35: {  	v1 =	vld [tilespmem:s17+$0xFFFFFFD0]  }
0x36: {  	v2 =	vld [tilespmem:s17+$0x430]  }
0x37: {  	s24 =	sshll.u32 s23, $0xB;
	v4 =	vld [tilespmem:s17+$0xFFFFFFE0]  }
0x38: {  	v7 =	vld [tilespmem:s17+$0xFFFFFFF0];
	v0 =	vmov s24  }
0x39: {  	v8 =	vld [tilespmem:s17+$0x0]  }
0x3a: {  	s30 =	sand.u32 $0x300, s21;
	v9 =	vld [tilespmem:s17+$0x10]  }
0x3b: {  	s25 =	sand.u32 $0x80, s21;
	v10 =	vld [tilespmem:s17+$0x20];
	s24 =	sadd.s32 s30, s19  }
0x3c: {  	v11 =	vld [tilespmem:s17+$0x30];
	s24 =	sadd.s32 s25, s24;
	s25 =	simm.s32 $0x1;
	[tilespmem:s18+$0x60] =	vst v2  }
0x3d: {  	s31 =	sshll.u32 s22, $0x2;
	s25 =	simm.s32 @!p1 $0x0;
	[tilespmem:s18+$0xFFFFFC00] =	vst v1;
	v3 =	vld.idx.msk [tilespmem:v0+s24+$0x400 ss:$0x1], $0xffff  }
0x3e: {  	v6 =	vld [tilespmem:s17+$0x3D0];
	s25 =	sshll.u32 s25, $0x9;
	[tilespmem:s18+$0xFFFFFC10] =	vst v4;
	s24 =	sand.u32 $0xFFFFFC00, s31  }
0x3f: {  	v5 =	vld [tilespmem:s17+$0x3E0];
	[tilespmem:s18+$0xFFFFFC20] =	vst v7;
	s24 =	sor.u32 s25, s24  }
0x40: {  	[tilespmem:s18+$0xFFFFFC30] =	vst v8;
	v4 =	vld [tilespmem:s17+$0x400];
	s24 =	sshrl.u32 s24, $0x2  }
0x41: {  	[tilespmem:s18+$0xFFFFFC40] =	vst v9;
	v1 =	vld [tilespmem:s17+$0x410];
	s24 =	sadd.s32 s24, s20  }
0x42: {  	[tilespmem:s24+$0x0] =	vst v3;
	v3 =	vld [tilespmem:s17+$0x3F0]  }
0x43: {  	s28 =	simm.s32 $0x80;
	s27 =	simm.s32 $0x100;
	[tilespmem:s18+$0xFFFFFC50] =	vst v10;
	v2 =	vld [tilespmem:s17+$0x420]  }
0x44: {  	s26 =	smov.u32 s18;
	s29 =	sand.u32 $0x300, s28;
	v7 =	vld [tilespmem:s17+$0xFFFFFFC0];
	[tilespmem:s18+$0xFFFFFC60] =	vst v11;
	s25 =	sadd.s32 $0x80, s17  }
.LBB1_4:
0x45: {  	p2 =	sne.s32 s27, $0x380;
	v8 =	vld [tilespmem:s25+$0xFFFFFFD0];
	s28 =	sand.u32 $0x80, s28;
	s29 =	sadd.s32 s29, s19;
	[tilespmem:s26+$0x0] =	vst v6  }
0x46: {  	s29 =	sadd.s32 s28, s29;
	v6 =	vld [tilespmem:s25+$0x430];
	[tilespmem:s26+$0x10] =	vst v5;
	s28 =	smov.u32 s27  }
0x47: {  	v5 =	vld.idx.msk [tilespmem:v0+s29+$0x400 ss:$0x1], $0xffff;
	[tilespmem:s26+$0x20] =	vst v3  }
0x48: {  	v3 =	vld [tilespmem:s25+$0xFFFFFFE0];
	[tilespmem:s26+$0x30] =	vst v4  }
0x49: {  	v4 =	vld [tilespmem:s25+$0xFFFFFFF0];
	[tilespmem:s26+$0xFFFFFBF0] =	vst v7  }
0x4a: {  	v7 =	vld [tilespmem:s25+$0x0];
	[tilespmem:s26+$0x40] =	vst v1  }
0x4b: {  	v1 =	vld [tilespmem:s25+$0x10];
	[tilespmem:s26+$0x50] =	vst v2;
	s26 =	sadd.s32 $0x800, s26  }
0x4c: {  	s24 =	sadd.s32 $0x800, s24;
	v2 =	vld [tilespmem:s25+$0x20];
	[tilespmem:s26+$0x60] =	vst v6  }
0x4d: {  	v9 =	vld [tilespmem:s25+$0x30];
	[tilespmem:s24+$0x0] =	vst v5  }
0x4e: {  	[tilespmem:s26+$0xFFFFFC00] =	vst v8;
	v6 =	vld [tilespmem:s25+$0x3D0]  }
0x4f: {  	[tilespmem:s26+$0xFFFFFC10] =	vst v3;
	v5 =	vld [tilespmem:s25+$0x3E0]  }
.Ltmp3:
0x50: {  	[tilespmem:s26+$0xFFFFFC20] =	vst v4;
	v3 =	vld [tilespmem:s25+$0x3F0];
	(pc) =	sbr.rel @p2 .LBB1_4-.Ltmp3, $4  }
0x51: {  	[tilespmem:s26+$0xFFFFFC30] =	vst v7;
	v4 =	vld [tilespmem:s25+$0x400]  }
0x52: {  	[tilespmem:s26+$0xFFFFFC40] =	vst v1;
	v1 =	vld [tilespmem:s25+$0x410]  }
0x53: {  	[tilespmem:s26+$0xFFFFFC50] =	vst v2;
	v2 =	vld [tilespmem:s25+$0x420]  }
0x54: {  	s27 =	sadd.s32 $0x80, s27;
	s29 =	sand.u32 $0x300, s28;
	v7 =	vld [tilespmem:s25+$0xFFFFFFC0];
	[tilespmem:s26+$0xFFFFFC60] =	vst v9;
	s25 =	sadd.s32 $0x80, s25  }
0x55: {  	[tilespmem:s26+$0x0] =	vst v6  }
0x56: {  	[tilespmem:s26+$0x10] =	vst v5  }
0x57: {  	v49 =	vld [tilespmem:s25+$0x430];
	[tilespmem:s26+$0x20] =	vst v3  }
0x58: {  	v50 =	vld [tilespmem:s25+$0xFFFFFFD0];
	[tilespmem:s26+$0x30] =	vst v4  }
0x59: {  	v51 =	vld [tilespmem:s25+$0xFFFFFFE0];
	[tilespmem:s26+$0x40] =	vst v1  }
0x5a: {  	v52 =	vld [tilespmem:s25+$0xFFFFFFF0];
	[tilespmem:s26+$0x50] =	vst v2  }
0x5b: {  	s31 =	sadd.s32 $0x800, s26;
	v53 =	vld [tilespmem:s25+$0x0];
	[tilespmem:s26+$0xFFFFFBF0] =	vst v7  }
0x5c: {  	v54 =	vld [tilespmem:s25+$0x10];
	[tilespmem:s31+$0x60] =	vst v49  }
0x5d: {  	v55 =	vld [tilespmem:s25+$0x20];
	[tilespmem:s31+$0xFFFFFC00] =	vst v50  }
0x5e: {  	v56 =	vld [tilespmem:s25+$0x30];
	[tilespmem:s31+$0xFFFFFC10] =	vst v51  }
0x5f: {  	v57 =	vld [tilespmem:s25+$0x3D0];
	[tilespmem:s31+$0xFFFFFC20] =	vst v52  }
0x60: {  	v58 =	vld [tilespmem:s25+$0x3E0];
	[tilespmem:s31+$0xFFFFFC30] =	vst v53  }
0x61: {  	v59 =	vld [tilespmem:s25+$0x3F0];
	[tilespmem:s31+$0xFFFFFC40] =	vst v54  }
0x62: {  	v60 =	vld [tilespmem:s25+$0x400];
	[tilespmem:s31+$0xFFFFFC50] =	vst v55  }
0x63: {  	v61 =	vld [tilespmem:s25+$0xFFFFFFC0];
	[tilespmem:s31+$0xFFFFFC60] =	vst v56  }
0x64: {  	s27 =	sand.u32 $0x80, s28;
	s30 =	sadd.s32 s29, s19;
	v62 =	vld [tilespmem:s25+$0x410];
	[tilespmem:s31+$0x0] =	vst v57  }
0x65: {  	v63 =	vld [tilespmem:s25+$0x420];
	s23 =	sadd.s32 $0x1, s23;
	s27 =	sadd.s32 s27, s30;
	[tilespmem:s31+$0x10] =	vst v58  }
0x66: {  	p2 =	sne.s32 s23, $0x8;
	v0 =	vld.idx.msk [tilespmem:v0+s27+$0x400 ss:$0x1], $0xffff;
	[tilespmem:s31+$0x20] =	vst v59  }
.Ltmp4:
0x67: {  	[tilespmem:s31+$0x30] =	vst v60;
	(pc) =	sbr.rel @p2 .LBB1_3-.Ltmp4, $4  }
0x68: {  	[tilespmem:s31+$0xFFFFFBF0] =	vst v61  }
0x69: {  	[tilespmem:s31+$0x40] =	vst v62  }
0x6a: {  	s24 =	sadd.s32 $0x800, s24;
	s17 =	sadd.s32 $0x800, s17;
	[tilespmem:s31+$0x50] =	vst v63  }
0x6b: {  	s22 =	sadd.s32 $0x80, s22;
	p1 =	por !p1, !p1;
	s18 =	sadd.s32 $0x80, s18;
	[tilespmem:s24+$0x0] =	vst v0  }
0x6c: {  	s17 =	sshrl.u32 s15, $0x3  }
0x6d: {  	s18 =	sshll.u32 s13, $0x3;
	s17 =	smul.u32 $0x1800, s17  }
0x6e: {  	s27 =	sshll.u32 s15, $0x7;
	s18 =	sand.u32 $0xFFFFFC00, s18  }
0x6f: {  	s15 =	sand.u32 $0x380, s27;
	s17 =	sadd.s32 s17, s18  }
0x70: {  	s28 =	sand.u32 $0x7F, s13;
	s15 =	sor.u32 s15, s17  }
0x71: {  	s13 =	sor.u32 s28, s15;
	s15 =	smulhi.u32 $0xAAAAAAAB, s15  }
0x72: {  	s29 =	smulhi.u32 $0xAAAAAAAB, s13  }
0x73: {  	s14 =	smul.u32 $0x6000, s14  }
0x74: {  	s12 =	smul.u32 $0xC00, s12;
	s15 =	sshrl.u32 s15, $0x9;
	s17 =	sshrl.u32 s29, $0x9  }
0x75: {  	s15 =	sand.u32 $0x1F, s15;
	s17 =	smul.u32 $0x300, s17  }
0x76: {  	s15 =	smul.u32 $0x60, s15  }
.Ltmp5:
0x77: {  	s14 =	sadd.s32 s3, s14;
	s13 =	ssub.s32 s13, s17;
	(pc) =	sbr.rel .LBB1_7-.Ltmp5, $4  }
0x78: {  	s12 =	sadd.s32 s12, s14;
	s30 =	sand.u32 $0x7, s13  }
0x79: {  	s12 =	sadd.s32 s15, s12;
	s13 =	sshrl.u32 s13, $0x3;
	s14 =	sshll.u32 s30, $0x12  }
0x7a: {  	s12 =	sadd.s32 s13, s12;
	s31 =	sor.u32 $0x800, s14  }
0x7b: {  	[hbm4b:s12+s31] =	stream.strided.scatter [tilespmem:s16], [sflag:$0x2], $0x4000, s6, s31, $0x38;
	[tilespmem:$0x10000] =	vst v63  }
.LBB1_8:
0x7c: {  	_ =	sfence.sel $0x180000  }
0x7d: {  	s2 =	simm.s32 $0x1;
	[bflag:$0x0] =	sbarrier.arrive $0xFFFF  }
0x7e: {  	s31 =	simm.s32 $0x2;
	[sflag:s2] =	ssyncpa.u1 $0x1  }
0x7f: {  	[sflag:s31] =	ssyncpa.u1 $0x1  }
0x80: {  	p0 =	sne.s32 s1, $0x0;
	_ =	strace $0x90000047  }
0x81: {  	s0 =	sadd.s32 @!p0 $0x100000, s0;
	[bflag:$0x2] =	sbarrier.arrive $0xFFFF  }
0x82: {  	[sflag:s0] =	ssyncadd.tile.s32 @!p0 $0x1;
	_ =	shalt  }
.Lfunc_end1:
_tile_overlayer_lowered:
.L_overlay_start_2:
0x83: {  	(tag) =	ssettag $0x2  }
0x84: {  	s0 =	rddreg [dreg:$0x0];
	s2 =	stileid.u32  }
0x85: {  	s1 =	rddreg [dreg:$0x1];
	p0 =	sne.s32 s2, $0x0  }
0x86: {  	s3 =	rddreg [dreg:$0x2];
	[bflag:$0x3] =	sbarrier.arrive $0xFFFF;
	s2 =	simm.s32 @!p0 $0x1C01  }
0x87: {  	[timem:s3], [sflag:s2] =	dma.local @!p0 [hbm:s0], s1  }
0x88: {  	s0 =	simm.s32 @!p0 $0x1  }
0x89: {  	_ =	swait.ge @!p0 [sflag:s0], s1  }
0x8a: {  	s1 =	ssub.s32 @!p0 $0x0, s1;
	[sflag:s0] =	ssyncset.done @!p0 $0x0  }
0x8b: {  	[sflag:s0] =	ssyncadd.s32 @!p0 s1  }
0x8c: {  	[bflag:$0x3] =	sbarrier.arrive $0xFFFF  }
0x8d: {  	_ =	shalt  }

// kernel: sparse-core-data-format-call.cloned.1.call-start
scs
called_computation_lowered:
.L_overlay_start_0:
0x0: {  	s2 =	sld [smem:$0x3FD9]  }
0x1: {  	s3 =	sld [smem:$0x3FFE];
	_ =	sdelay $0x1  }
0x2: {  	s1 =	srdreg.scid  }
0x3: {  	s0 =	sand.u32 $0x1, s1  }
0x4: {  	s15 =	sshll.u32 s0, $0xA;
	s2 =	sadd.s32 s3, s2  }
0x5: {  	s2 =	sadd.s32 s2, s15  }
0x6: {  	[smem:$0x3FC4] =	sst s2  }
0x7: {  	_ = 	snop  }
0x8: {  	s2 =	sld [smem:$0x3FD0];
	_ =	sdelay $0x2  }
0x9: {  	s16 =	simm.s32 $0xA;
	s4 =	simm.s32 $0x10  }
0xa: {  	[smem:s4], [sflag:s16] =	dma.local [hbm:s2], $0x1  }
0xb: {  	_ =	swait.eq [sflag:s16], $0x1  }
0xc: {  	[sflag:s16] =	ssyncset.done $0x0  }
0xd: {  	[sflag:s16] =	ssyncadd.s32 $0xFFFFFFFF  }
0xe: {  	s17 =	sld [smem:$0x10];
	(tm) =	ssettm $0x1  }
0xf: {  	s18 =	sld [smem:$0x3FFB];
	_ =	sdelay $0x3  }
0x10: {  	_ =	strace s18  }
0x11: {  	s3 =	sld [smem:$0x3FFC];
	_ =	sdelay $0x3  }
0x12: {  	_ =	strace s3  }
0x13: {  	s3 =	sld [smem:$0x3FFD];
	_ =	sdelay $0x3  }
0x14: {  	_ =	strace s3  }
0x15: {  	_ =	strace $0x8FFFFFFF  }
0x16: {  	s19 =	sld [smem:$0x3FDB];
	_ =	sdelay $0x1  }
0x17: {  	s20 =	simm.s32 $_scs_section_size  }
0x18: {  	s5 =	simm.s32 $_size__tile_overlayer_lowered;
	s6 =	simm.s32 $_tile_overlayer_lowered  }
0x19: {  	s23 =	simm.s32 $0x1BFF;
	s22 =	sshll.u32 s6, $0x1;
	s3 =	sadd.s32 s20, s19  }
0x1a: {  	s7 =	simm.s32 $0x0;
	s21 =	sshll.u32 s5, $0x1;
	s5 =	sadd.s32 s22, s3  }
0x1b: {  	[timem:s7], [sflag:s23] =	dma.local [hbm:s5], s21  }
0x1c: {  	_ =	swait.ge [sflag:s23], s21  }
0x1d: {  	s4 =	ssub.s32 $0x0, s21;
	[sflag:s23] =	ssyncset.done $0x0  }
0x1e: {  	[sflag:s23] =	ssyncadd.s32 s4;
	_ =	sdelay $0x1  }
0x1f: {  	s24 =	simm.s32 $0x1B8B  }
0x20: {  	_ =	swait.ge [sflag:s24], $0x1  }
0x21: {  	[sflag:s24] =	ssyncset.done $0x0  }
0x22: {  	s26 =	simm.s32 $0x1B8E;
	s25 =	sld [smem:$0x3FFE];
	[sflag:s24] =	ssyncadd.s32 $0xFFFFFFFF  }
0x23: {  	s27 =	simm.s32 $execute0_lowered;
	[smem:$0x3FD2] =	sst s26  }
0x24: {  	s5 =	sshll.u32 s27, $0x1;
	_ =	strace $0x80000049;
	[dreg:$0x1] =	wrdreg $0xFFFFFFFF  }
0x25: {  	s28 =	simm.s32 $_size_execute0_lowered;
	s3 =	sadd.s32 s3, s5;
	[dreg:$0x0] =	wrdreg $0x0  }
0x26: {  	s5 =	sshll.u32 s28, $0x1;
	[dreg:$0x2] =	wrdreg s3  }
0x27: {  	[dreg:$0x3] =	wrdreg s5  }
0x28: {  	[dreg:$0x4] =	wrdreg $0xC0  }
0x29: {  	_ =	task [dreg:s7], $0x5FFFF  }
0x2a: {  	[dreg:$0x1] =	wrdreg $0xFFFFFFFF  }
0x2b: {  	[dreg:$0x0] =	wrdreg $0x60  }
0x2c: {  	[dreg:$0x2] =	wrdreg s25  }
0x2d: {  	[dreg:$0x3] =	wrdreg s17  }
0x2e: {  	[dreg:$0x4] =	wrdreg $0x9  }
0x2f: {  	_ =	task.clear_ibuf [dreg:s7], $0x5FFFF;
	_ =	strace $0x90000049  }
0x30: {  	s29 =	simm.s32 $0x9;
	_ =	strace $0x8000004B  }
0x31: {  	_ =	swait.ge [sflag:s29], $0x1  }
0x32: {  	[sflag:s29] =	ssyncadd.s32 $0xFFFFFFFF  }
0x33: {  	_ =	strace $0x9000004B  }
0x34: {  	_ =	sfence  }
0x35: {  	s30 =	sld [smem:$0x0];
	_ =	sdelay $0x2  }
0x36: {  	s31 =	sshll.u32 s1, $0xD;
	s1 =	sshrl.u32 s1, $0x2  }
0x37: {  	s3 =	sand.u32 $0x4000, s31;
	s1 =	sadd.s32 s1, s30  }
0x38: {  	s0 =	sor.u32 s3, s0;
	s1 =	sshll.u32 s1, $0x11  }
0x39: {  	s0 =	sor.u32 s1, s0  }
0x3a: {  	s0 =	sadd.s32 $0x8F2B, s0  }
0x3b: {  	[sflag:s0] =	ssyncadd.remote.s32 $0x1  }
0x3c: {  	_ =	sfence.sel $0xFFFF  }
0x3d: {  	[dreg:$0x0] =	wrdreg $0xFFFFFFFF;
	(pc) =	sbr.abs _section_cstart, $3  }
0x3e: {  	[dreg:$0x1] =	wrdreg $0xFFFFFFFF  }
0x3f: {  	_ =	task.clear_ibuf [dreg:s7], $0x2FFFF;
	_ =	strace $0x9FFFFFFF  }
0x40: {  	(tm) =	ssettm $0x7FFFFFFF  }
0x41: {  	_ =	shalt  }
tec
execute0_lowered:
.L_overlay_start_1:
0x0: {  	(tag) =	ssettag $0x1  }
0x1: {  	s1 =	rddreg [dreg:$0x0]  }
0x2: {  	s2 =	rddreg [dreg:$0x1]  }
0x3: {  	s0 =	rddreg [dreg:$0x2];
	_ =	strace $0x8000004A;
	s4 =	srdreg.scid  }
0x4: {  	s6 =	simm.s32 $0x2;
	s13 =	simm.s32 $0x0;
	p0 =	por $0x0, $0x0  }
0x5: {  	s12 =	simm.s32 $0x0;
	s15 =	simm.s32 $0x0;
	s14 =	simm.s32 $0x0  }
.Ltmp0:
0x6: {  	s8 =	simm.s32 $0x0;
	s9 =	simm.s32 $0x0;
	(pc) =	sbr.rel .LBB1_1-.Ltmp0, $4  }
0x7: {  	s10 =	simm.s32 $0x0;
	s3 =	sadd.s32 $0xE00, s1;
	s5 =	sshll.u32 s4, $0x4  }
0x8: {  	s1 =	stileid.u32;
	s4 =	simm.s32 $0x1;
	s5 =	sand.u32 $0x10, s5  }
0x9: {  	s7 =	simm.s32 $0x0;
	[sflag:s4] =	ssyncpa.u1 $0x0;
	s5 =	sor.u32 s1, s5  }
0xa: {  	[sflag:s6] =	ssyncpa.u1 $0x0;
	s6 =	simm.s32 $0xC0000;
	s11 =	smov.u32 s5  }
.LBB1_7:
0xb: {  	s16 =	sadd.s32 $0x80, s8  }
0xc: {  	s12 =	sadd.s32 $0x20, s9;
	s17 =	smov.u32 s9;
	p2 =	sgt.s32 s16, $0x2FF  }
0xd: {  	s17 =	smov.u32 @p2 s12  }
0xe: {  	s18 =	smov.u32 s10;
	s12 =	sadd.s32 $0x4, s10;
	p3 =	sgt.s32 s17, $0x1F  }
0xf: {  	s18 =	smov.u32 @p3 s12  }
0x10: {  	s19 =	smov.u32 s11;
	s12 =	sadd.s32 $0x20, s11;
	p4 =	sgt.s32 s18, $0x1F  }
0x11: {  	p1 =	slt.u32 s7, $0x2;
	s19 =	smov.u32 @p4 s12  }
0x12: {  	s7 =	sadd.s32 $0x1, s7;
	s16 =	simm.s32 @p2 $0x0;
	p2 =	sgt.s32 s19, $0x1F  }
0x13: {  	s13 =	smov.u32 s8;
	s19 =	smov.u32 @p2 s5;
	p2 =	sne.s32 s7, $0x32  }
.Ltmp1:
0x14: {  	s15 =	smov.u32 s10;
	s20 =	simm.s32 @!p1 $0x2;
	(pc) =	sbr.rel @!p2 .LBB1_8-.Ltmp1, $4  }
0x15: {  	s14 =	smov.u32 s11;
	p0 =	por !p0, !p0;
	_ =	swait.ge @!p1 [sflag:s20], $0x4000  }
0x16: {  	[sflag:s20] =	ssyncset.done @!p1 $0x0;
	s8 =	smov.u32 s16;
	s17 =	simm.s32 @p3 $0x0  }
0x17: {  	[sflag:s20] =	ssyncadd.s32 @!p1 $0xFFFFC000;
	s18 =	simm.s32 @p4 $0x0;
	s12 =	smov.u32 s9  }
0x18: {  	s9 =	smov.u32 s17;
	s10 =	smov.u32 s18;
	s11 =	smov.u32 s19  }
.LBB1_1:
0x19: {  	p1 =	sgt.u32 s7, $0x2F  }
0x1a: {  	s16 =	sshrl.u32 @!p1 s9, $0x3  }
0x1b: {  	s17 =	sshll.u32 @!p1 s8, $0x3;
	s16 =	smul.u32 @!p1 $0x1800, s16  }
0x1c: {  	s18 =	sshll.u32 @!p1 s9, $0x7;
	s17 =	sand.u32 @!p1 $0xFFFFFC00, s17  }
0x1d: {  	s16 =	sadd.s32 @!p1 s16, s17;
	s17 =	sand.u32 @!p1 $0x380, s18  }
0x1e: {  	s18 =	sand.u32 @!p1 $0x7F, s8;
	s16 =	sor.u32 @!p1 s17, s16  }
0x1f: {  	s17 =	sor.u32 @!p1 s18, s16  }
0x20: {  	s18 =	smulhi.u32 @!p1 $0xAAAAAAAB, s17  }
0x21: {  	s16 =	smulhi.u32 @!p1 $0xAAAAAAAB, s16  }
0x22: {  	s20 =	smul.u32 @!p1 $0x18000, s11;
	s18 =	sshrl.u32 @!p1 s18, $0x9  }
0x23: {  	s19 =	sxor.u32 @!p1 $0xFFFFFFFF, s7;
	s16 =	sshrl.u32 @!p1 s16, $0x9;
	s18 =	smul.u32 @!p1 $0x300, s18  }
0x24: {  	s21 =	smul.u32 @!p1 $0xC00, s10;
	s19 =	sshll.u32 @!p1 s19, $0xE;
	s16 =	sand.u32 @!p1 $0x1F, s16  }
0x25: {  	s16 =	smul.u32 @!p1 $0x60, s16;
	s17 =	ssub.s32 @!p1 s17, s18;
	s18 =	sadd.s32 @!p1 s3, s20  }
0x26: {  	s19 =	sand.u32 @!p1 $0x4000, s19;
	s18 =	sadd.s32 @!p1 s21, s18;
	s20 =	sand.u32 @!p1 $0x7, s17  }
0x27: {  	s17 =	sshrl.u32 @!p1 s17, $0x3;
	s16 =	sadd.s32 @!p1 s16, s18;
	s18 =	sshll.u32 @!p1 s20, $0x12  }
0x28: {  	s16 =	sadd.s32 @!p1 s17, s16;
	s17 =	sor.u32 @!p1 $0x400, s18;
	s18 =	simm.s32 @!p1 $0x1800  }
0x29: {  	[tilespmem:s19], [sflag:$0x1] =	stream.strided.gather @!p1 [hbm4b:s16+s17], $0x4000, s18, s17, $0x38;
	[tilespmem:$0x10000] =	vst v63  }
0x2a: {  	p1 =	seq.s32 s7, $0x0  }
0x2b: {  	p2 =	seq.s32 @!p1 s7, $0x31  }
0x2c: {  	p1 =	por p1, p2  }
.Ltmp2:
0x2d: {  	_ = 	snop;
	(pc) =	sbr.rel @p1 .LBB1_7-.Ltmp2, $1  }
0x2e: {  	_ =	sdelay $0x3  }
0x2f: {  	s16 =	simm.s32 $0x1;
	_ =	swait.ge [sflag:s4], $0x4000;
	s19 =	sshll.u32 s7, $0xE  }
0x30: {  	s16 =	simm.s32 @!p0 $0x0;
	[sflag:s4] =	ssyncset.done $0x0;
	s31 =	sand.u32 $0x4000, s19  }
0x31: {  	s19 =	simm.s32 $0x0;
	s16 =	sshll.u32 s16, $0xE;
	[sflag:s4] =	ssyncadd.s32 $0xFFFFC000  }
0x32: {  	s17 =	sor.u32 $0x8040, s16;
	s18 =	sor.u32 $0x40, s16;
	s16 =	sor.u32 $0x8000, s31  }
.LBB1_3:
0x33: {  	v0 =	vmov s18;
	_ =	sdelay $0x3  }
0x34: {  	s21 =	simm.s32 $0x0  }
0x35: {  	v6 =	vld.idx.msk [tilespmem:v0+s21+$0x30 ss:$0x1], $0xffff  }
0x36: {  	v7 =	vld.idx.msk [tilespmem:v0+s21+$0xFFFFFFC0 ss:$0x1], $0xffff  }
0x37: {  	v5 =	vld.idx.msk [tilespmem:v0+s21+$0xFFFFFFD0 ss:$0x1], $0xffff  }
0x38: {  	v4 =	vld.idx.msk [tilespmem:v0+s21+$0xFFFFFFE0 ss:$0x1], $0xffff  }
0x39: {  	v3 =	vld.idx.msk [tilespmem:v0+s21+$0xFFFFFFF0 ss:$0x1], $0xffff  }
0x3a: {  	v1 =	vld.idx.msk [tilespmem:v0+s21+$0x0 ss:$0x1], $0xffff  }
0x3b: {  	v2 =	vld.idx.msk [tilespmem:v0+s21+$0x10 ss:$0x1], $0xffff;
	[tilespmem:s17+$0x30] =	vst v6  }
0x3c: {  	s20 =	simm.s32 $0x80;
	s22 =	simm.s32 $0x400;
	[tilespmem:s17+$0xFFFFFFC0] =	vst v7;
	v6 =	vld.idx.msk [tilespmem:v0+s21+$0x20 ss:$0x1], $0xffff;
	s21 =	smov.u32 s17  }
.LBB1_4:
0x3d: {  	p1 =	sne.s32 s22, $0x3E00;
	v7 =	vld.idx.msk [tilespmem:v0+s20+$0x30 ss:$0x1], $0xffff;
	[tilespmem:s21+$0xFFFFFFD0] =	vst v5  }
0x3e: {  	v8 =	vld.idx.msk [tilespmem:v0+s20+$0xFFFFFFC0 ss:$0x1], $0xffff;
	[tilespmem:s21+$0xFFFFFFE0] =	vst v4  }
0x3f: {  	v5 =	vld.idx.msk [tilespmem:v0+s20+$0xFFFFFFD0 ss:$0x1], $0xffff;
	[tilespmem:s21+$0xFFFFFFF0] =	vst v3  }
.Ltmp3:
0x40: {  	v4 =	vld.idx.msk [tilespmem:v0+s20+$0xFFFFFFE0 ss:$0x1], $0xffff;
	[tilespmem:s21+$0x0] =	vst v1;
	(pc) =	sbr.rel @p1 .LBB1_4-.Ltmp3, $4  }
0x41: {  	v3 =	vld.idx.msk [tilespmem:v0+s20+$0xFFFFFFF0 ss:$0x1], $0xffff;
	[tilespmem:s21+$0x10] =	vst v2  }
0x42: {  	v1 =	vld.idx.msk [tilespmem:v0+s20+$0x0 ss:$0x1], $0xffff;
	[tilespmem:s21+$0x20] =	vst v6;
	s21 =	sadd.s32 $0x200, s21  }
0x43: {  	v2 =	vld.idx.msk [tilespmem:v0+s20+$0x10 ss:$0x1], $0xffff;
	[tilespmem:s21+$0x30] =	vst v7  }
0x44: {  	[tilespmem:s21+$0xFFFFFFC0] =	vst v8;
	v6 =	vld.idx.msk [tilespmem:v0+s20+$0x20 ss:$0x1], $0xffff;
	s20 =	sshra.s32 s22, $0x2;
	s22 =	sadd.s32 $0x200, s22  }
0x45: {  	_ =	sdelay $0x2  }
0x46: {  	[tilespmem:s21+$0xFFFFFFD0] =	vst v5  }
0x47: {  	v56 =	vld.idx.msk [tilespmem:v0+s20+$0x30 ss:$0x1], $0xffff;
	[tilespmem:s21+$0xFFFFFFE0] =	vst v4  }
0x48: {  	v57 =	vld.idx.msk [tilespmem:v0+s20+$0xFFFFFFC0 ss:$0x1], $0xffff;
	[tilespmem:s21+$0xFFFFFFF0] =	vst v3  }
0x49: {  	v58 =	vld.idx.msk [tilespmem:v0+s20+$0xFFFFFFD0 ss:$0x1], $0xffff;
	[tilespmem:s21+$0x0] =	vst v1  }
0x4a: {  	v59 =	vld.idx.msk [tilespmem:v0+s20+$0xFFFFFFE0 ss:$0x1], $0xffff;
	[tilespmem:s21+$0x10] =	vst v2  }
0x4b: {  	v60 =	vld.idx.msk [tilespmem:v0+s20+$0xFFFFFFF0 ss:$0x1], $0xffff;
	s31 =	sadd.s32 $0x200, s21;
	[tilespmem:s21+$0x20] =	vst v6  }
0x4c: {  	v61 =	vld.idx.msk [tilespmem:v0+s20+$0x0 ss:$0x1], $0xffff;
	[tilespmem:s31+$0x30] =	vst v56  }
0x4d: {  	v62 =	vld.idx.msk [tilespmem:v0+s20+$0x10 ss:$0x1], $0xffff;
	s19 =	sadd.s32 $0x1, s19;
	[tilespmem:s31+$0xFFFFFFC0] =	vst v57  }
0x4e: {  	v63 =	vld.idx.msk [tilespmem:v0+s20+$0x20 ss:$0x1], $0xffff;
	p1 =	sne.s32 s19, $0x4;
	[tilespmem:s31+$0xFFFFFFD0] =	vst v58  }
.Ltmp4:
0x4f: {  	[tilespmem:s31+$0xFFFFFFE0] =	vst v59;
	(pc) =	sbr.rel @p1 .LBB1_3-.Ltmp4, $4  }
0x50: {  	[tilespmem:s31+$0xFFFFFFF0] =	vst v60  }
0x51: {  	[tilespmem:s31+$0x0] =	vst v61  }
0x52: {  	[tilespmem:s31+$0x10] =	vst v62  }
0x53: {  	s17 =	sadd.s32 $0x80, s17;
	s18 =	sadd.s32 $0x1000, s18;
	[tilespmem:s31+$0x20] =	vst v63  }
0x54: {  	s17 =	sshrl.u32 s15, $0x3  }
0x55: {  	s18 =	sshll.u32 s13, $0x3;
	s17 =	smul.u32 $0x1800, s17  }
0x56: {  	s27 =	sshll.u32 s15, $0x7;
	s18 =	sand.u32 $0xFFFFFC00, s18  }
0x57: {  	s15 =	sand.u32 $0x380, s27;
	s17 =	sadd.s32 s17, s18  }
0x58: {  	s28 =	sand.u32 $0x7F, s13;
	s15 =	sor.u32 s15, s17  }
0x59: {  	s13 =	sor.u32 s28, s15;
	s15 =	smulhi.u32 $0xAAAAAAAB, s15  }
0x5a: {  	s29 =	smulhi.u32 $0xAAAAAAAB, s13  }
0x5b: {  	s14 =	smul.u32 $0xC00, s14  }
0x5c: {  	s12 =	smul.u32 $0x18000, s12;
	s15 =	sshrl.u32 s15, $0x9;
	s17 =	sshrl.u32 s29, $0x9  }
0x5d: {  	s15 =	sand.u32 $0x1F, s15;
	s17 =	smul.u32 $0x300, s17  }
0x5e: {  	s15 =	smul.u32 $0x60, s15  }
.Ltmp5:
0x5f: {  	s14 =	sadd.s32 s2, s14;
	s13 =	ssub.s32 s13, s17;
	(pc) =	sbr.rel .LBB1_7-.Ltmp5, $4  }
0x60: {  	s12 =	sadd.s32 s12, s14;
	s30 =	sand.u32 $0x7, s13  }
0x61: {  	s12 =	sadd.s32 s15, s12;
	s13 =	sshrl.u32 s13, $0x3;
	s14 =	sshll.u32 s30, $0x12  }
0x62: {  	s12 =	sadd.s32 s13, s12;
	s31 =	sor.u32 $0x200, s14  }
0x63: {  	[hbm4b:s12+s31] =	stream.strided.scatter [tilespmem:s16], [sflag:$0x2], $0x4000, s6, s31, $0x38;
	[tilespmem:$0x10000] =	vst v63  }
.LBB1_8:
0x64: {  	_ =	sfence.sel $0x180000  }
0x65: {  	s2 =	simm.s32 $0x1;
	[bflag:$0x0] =	sbarrier.arrive $0xFFFF  }
0x66: {  	s31 =	simm.s32 $0x2;
	[sflag:s2] =	ssyncpa.u1 $0x1  }
0x67: {  	[sflag:s31] =	ssyncpa.u1 $0x1  }
0x68: {  	p0 =	sne.s32 s1, $0x0;
	_ =	strace $0x9000004A  }
0x69: {  	s0 =	sadd.s32 @!p0 $0x100000, s0;
	[bflag:$0x2] =	sbarrier.arrive $0xFFFF  }
0x6a: {  	[sflag:s0] =	ssyncadd.tile.s32 @!p0 $0x1;
	_ =	shalt  }
.Lfunc_end1:
_tile_overlayer_lowered:
.L_overlay_start_2:
0x6b: {  	(tag) =	ssettag $0x2  }
0x6c: {  	s0 =	rddreg [dreg:$0x0];
	s2 =	stileid.u32  }
0x6d: {  	s1 =	rddreg [dreg:$0x1];
	p0 =	sne.s32 s2, $0x0  }
0x6e: {  	s3 =	rddreg [dreg:$0x2];
	[bflag:$0x3] =	sbarrier.arrive $0xFFFF;
	s2 =	simm.s32 @!p0 $0x1C01  }
0x6f: {  	[timem:s3], [sflag:s2] =	dma.local @!p0 [hbm:s0], s1  }
0x70: {  	s0 =	simm.s32 @!p0 $0x1  }
0x71: {  	_ =	swait.ge @!p0 [sflag:s0], s1  }
0x72: {  	s1 =	ssub.s32 @!p0 $0x0, s1;
	[sflag:s0] =	ssyncset.done @!p0 $0x0  }
0x73: {  	[sflag:s0] =	ssyncadd.s32 @!p0 s1  }
0x74: {  	[bflag:$0x3] =	sbarrier.arrive $0xFFFF  }
0x75: {  	_ =	shalt  }

</sc_bundles>
